<compile_context>
chip_gen: v7x
topology: tpu7x:2x2x1
jax: 0.10.2.dev20260603
libtpu: 0.0.44.dev20260713+nightly
codegen_flags: <defaults>
</compile_context>

<pallas_src>
import functools

import jax
import jax.numpy as jnp
from jax import lax
from jax.experimental import pallas as pl
from jax.experimental.pallas import tpu as pltpu
from jax.experimental.pallas import tpu_sc as plsc

IN_DIM = 128
OUT_DIM = 256
MEM_LEN = 1024
BATCH = 512
BETA = 200.0
EPS = 1e-8
MC = 128
PREC = jax.lax.Precision.HIGHEST

NC = 2
NS = 16
NW = NC * NS
MEM_PW = MEM_LEN // NW
B_PW = BATCH // NW
TRASH_LEN = MEM_LEN + NW


def _dense_kernel(x_ref, mem_ref, md_ref, w_ref, b_ref, mean_ref, std_ref,
                  scores_ref, enc_ref, idx_ref, nmean_ref, nstd_ref, d_scr):
    mean = mean_ref[...]
    std = std_ref[...]
    deg = std < EPS
    safe_std = jnp.where(deg, 1.0, std)
    xn = (x_ref[...] - mean) / safe_std
    xn = jnp.where(deg, 0.0, xn)

    enc = jax.lax.dot_general(xn, w_ref[...], (((1,), (1,)), ((), ())),
                              precision=PREC)
    enc = jnp.maximum(enc + b_ref[...], 0.0)
    enc_ref[...] = enc

    ones_k = jnp.ones((1, OUT_DIM), jnp.float32)
    se_row = jax.lax.dot_general(ones_k, enc, (((1,), (1,)), ((), ())),
                                 precision=PREC)
    sm_col = jax.lax.dot_general(mem_ref[...], ones_k,
                                 (((1,), (1,)), ((), ())),
                                 precision=PREC)

    def dist_body(i, _):
        mc = mem_ref[pl.ds(i * MC, MC), :]
        mn = jnp.minimum(enc[None, :, :], mc[:, None, :])
        d_scr[pl.ds(i * MC, MC), :] = jnp.sum(mn, axis=-1)
        return 0
    jax.lax.fori_loop(0, MEM_LEN // MC, dist_body, 0)

    d_scr[...] = sm_col - 2.0 * d_scr[...]

    iota_m = jax.lax.broadcasted_iota(jnp.int32, (MEM_LEN, BATCH), 0)
    big = jnp.int32(MEM_LEN)
    m1 = jnp.min(d_scr[...], axis=0, keepdims=True)
    j1 = jnp.min(jnp.where(d_scr[...] == m1, iota_m, big), axis=0, keepdims=True)
    d_scr[...] = jnp.where(iota_m == j1, jnp.inf, d_scr[...])
    m2 = jnp.min(d_scr[...], axis=0, keepdims=True)
    j2 = jnp.min(jnp.where(d_scr[...] == m2, iota_m, big), axis=0, keepdims=True)
    d_scr[...] = jnp.where(iota_m == j2, jnp.inf, d_scr[...])
    m3 = jnp.min(d_scr[...], axis=0, keepdims=True)
    scores = (m1 + m2 + m3) / 3.0 + se_row
    scores_ref[...] = scores

    maskf = (scores <= BETA).astype(jnp.float32)
    bi = jax.lax.broadcasted_iota(jnp.int32, (BATCH, BATCH), 0)
    bj = jax.lax.broadcasted_iota(jnp.int32, (BATCH, BATCH), 1)
    tri = (bi <= bj).astype(jnp.float32)
    csum = jax.lax.dot_general(maskf, tri, (((1,), (0,)), ((), ())))
    n_upd = csum[0:1, BATCH - 1:BATCH].astype(jnp.int32)

    bidx = jax.lax.broadcasted_iota(jnp.int32, (1, BATCH), 1)
    trash = jnp.int32(MEM_LEN) + bidx // jnp.int32(B_PW)
    idx_ref[...] = jnp.where(maskf > 0.0, csum.astype(jnp.int32) - 1, trash)

    md = md_ref[...]
    upd_rows = (jax.lax.broadcasted_iota(jnp.int32, (MEM_LEN, 1), 0)
                < n_upd)
    rowmf = upd_rows.astype(jnp.float32)
    sum_all = jnp.sum(md, axis=0, keepdims=True)
    ssq_all = jnp.sum(md * md, axis=0, keepdims=True)
    sum_repl = jax.lax.dot_general(rowmf, md, (((0,), (0,)), ((), ())),
                                   precision=PREC)
    ssq_repl = jax.lax.dot_general(rowmf, md * md, (((0,), (0,)), ((), ())),
                                   precision=PREC)
    xv = x_ref[...]
    xsum = jax.lax.dot_general(maskf, xv, (((1,), (0,)), ((), ())),
                               precision=PREC)
    xssq = jax.lax.dot_general(maskf, xv * xv, (((1,), (0,)), ((), ())),
                               precision=PREC)
    nsum = sum_all - sum_repl + xsum
    nssq = ssq_all - ssq_repl + xssq
    m = nsum / jnp.float32(MEM_LEN)
    var = (nssq - jnp.float32(MEM_LEN) * m * m) / jnp.float32(MEM_LEN - 1)
    s = jnp.sqrt(jnp.maximum(var, 0.0))
    s = jnp.where(s < EPS, 1.0, s)
    did_upd = n_upd > 0
    nmean_ref[...] = jnp.where(did_upd, m, mean)
    nstd_ref[...] = jnp.where(did_upd, s, std)


def _sc_scatter_kernel(enc_hbm, x_hbm, mem_hbm, md_hbm, idx_hbm,
                       outmem_hbm, outmd_hbm,
                       idx_v, enc_v, x_v, bmem_v, bmd_v, sem_ld, sem_init,
                       sem_sc):
    wid = lax.axis_index("s") * NC + lax.axis_index("c")
    mbase = wid * MEM_PW
    bbase = wid * B_PW
    ld_idx = pltpu.async_copy(idx_hbm.at[wid], idx_v, sem_ld)
    ld_enc = pltpu.async_copy(enc_hbm.at[pl.ds(bbase, B_PW)], enc_v, sem_ld)
    ld_x = pltpu.async_copy(x_hbm.at[pl.ds(bbase, B_PW)], x_v, sem_ld)
    in_m = pltpu.async_copy(mem_hbm.at[pl.ds(mbase, MEM_PW)], bmem_v, sem_init)
    in_d = pltpu.async_copy(md_hbm.at[pl.ds(mbase, MEM_PW)], bmd_v, sem_init)
    in_m.wait()
    in_d.wait()
    out_m = pltpu.async_copy(bmem_v, outmem_hbm.at[pl.ds(mbase, MEM_PW)],
                             sem_init)
    out_d = pltpu.async_copy(bmd_v, outmd_hbm.at[pl.ds(mbase, MEM_PW)],
                             sem_init)
    out_m.wait()
    out_d.wait()
    plsc.subcore_barrier()
    ld_idx.wait()
    ld_enc.wait()
    ld_x.wait()
    sc_m = pltpu.async_copy(enc_v, outmem_hbm.at[idx_v], sem_sc)
    sc_d = pltpu.async_copy(x_v, outmd_hbm.at[idx_v], sem_sc)
    sc_m.wait()
    sc_d.wait()


_sc_scatter = functools.partial(
    pl.kernel,
    mesh=plsc.VectorSubcoreMesh(core_axis_name="c", subcore_axis_name="s"),
    out_type=[
        jax.ShapeDtypeStruct((TRASH_LEN, OUT_DIM), jnp.float32),
        jax.ShapeDtypeStruct((TRASH_LEN, IN_DIM), jnp.float32),
    ],
    scratch_types=[
        pltpu.VMEM((B_PW,), jnp.int32),
        pltpu.VMEM((B_PW, OUT_DIM), jnp.float32),
        pltpu.VMEM((B_PW, IN_DIM), jnp.float32),
        pltpu.VMEM((MEM_PW, OUT_DIM), jnp.float32),
        pltpu.VMEM((MEM_PW, IN_DIM), jnp.float32),
        pltpu.SemaphoreType.DMA,
        pltpu.SemaphoreType.DMA,
        pltpu.SemaphoreType.DMA,
    ],
)(_sc_scatter_kernel)


def kernel(x, memory, mem_data, W_enc, b_enc, mean, std):
    f32 = jnp.float32
    outs = pl.pallas_call(
        _dense_kernel,
        out_shape=[
            jax.ShapeDtypeStruct((1, BATCH), f32),
            jax.ShapeDtypeStruct((BATCH, OUT_DIM), f32),
            jax.ShapeDtypeStruct((1, BATCH), jnp.int32),
            jax.ShapeDtypeStruct((1, IN_DIM), f32),
            jax.ShapeDtypeStruct((1, IN_DIM), f32),
        ],
        scratch_shapes=[
            pltpu.VMEM((MEM_LEN, BATCH), f32),
        ],
    )(x, memory, mem_data, W_enc, b_enc.reshape(1, OUT_DIM),
      mean.reshape(1, IN_DIM), std.reshape(1, IN_DIM))
    scores, enc, idx, new_mean, new_std = outs
    outmem, outmd = _sc_scatter(enc, x, memory, mem_data,
                                idx.reshape(NW, B_PW))
    return (scores.reshape(BATCH), outmem[:MEM_LEN], outmd[:MEM_LEN],
            new_mean.reshape(IN_DIM), new_std.reshape(IN_DIM))

# --- scband reference (transcript-rebuilt; emitter-appended) ---
"""Pipeline reference for scband-mem-stream-84482006712515 (READ-ONLY COPY).

The authoritative reference and input builder live on the scoring server;
editing this copy changes nothing except your own understanding.
"""

import jax, jax.numpy as jnp
import numpy as np

IN_DIM = 128
OUT_DIM = 256
MEM_LEN = 1024
BATCH = 512
BETA = 200.0
K = 3
COUNT = 0


def setup_inputs(seed: int = 0) -> dict:
    key = jax.random.key(seed)
    k0, k1, k2, k3, k4 = jax.random.split(key, 5)
    x = jax.random.normal(k0, (BATCH, IN_DIM), dtype=jnp.float32)
    memory = jax.random.normal(k1, (MEM_LEN, OUT_DIM), dtype=jnp.float32)
    mem_data = jax.random.normal(k2, (MEM_LEN, IN_DIM), dtype=jnp.float32)
    lim = 1.0 / np.sqrt(IN_DIM)
    W_enc = jax.random.uniform(k3, (OUT_DIM, IN_DIM), minval=-lim, maxval=lim, dtype=jnp.float32)
    b_enc = jax.random.uniform(k4, (OUT_DIM,), minval=-lim, maxval=lim, dtype=jnp.float32)
    mean = jnp.zeros((IN_DIM,), dtype=jnp.float32)
    std = jnp.ones((IN_DIM,), dtype=jnp.float32)
    return {"x": x, "memory": memory, "mem_data": mem_data, "W_enc": W_enc, "b_enc": b_enc, "mean": mean, "std": std}


def reference(x, memory, mem_data, W_enc, b_enc, mean, std):
    eps = 1e-8
    # _normalize: standardization with fixed stats, zero-out degenerate columns
    safe_std = jnp.where(std < eps, jnp.ones_like(std), std)
    x_norm = (x - mean) / safe_std
    x_norm = jnp.where(std < eps, jnp.zeros_like(x_norm), x_norm)
    # encoder: Linear(in_dim -> 2*in_dim) + ReLU
    enc = jax.nn.relu(x_norm @ W_enc.T + b_enc)
    # _knn_score: min-K L1 distances between encodings and memory (gamma == 0 -> plain mean)
    dists = jnp.abs(enc[:, None, :] - memory[None, :, :]).sum(axis=-1)  # [B, M]
    neg_topk, _ = jax.lax.top_k(-dists, K)  # smallest-K distances
    scores = jnp.mean(-neg_topk, axis=1)
    # _maybe_update_memory: sequential ring-buffer writes where score <= beta,
    # expressed as a vectorized scatter-overwrite (later duplicates win in torch loop;
    # positions here are unique within a batch unless updates wrap past memory_len)
    mask = scores <= BETA
    offsets = jnp.cumsum(mask.astype(jnp.int32)) - 1
    pos = jnp.where(mask, (COUNT + offsets) % MEM_LEN, MEM_LEN)  # MEM_LEN -> dropped
    new_memory = memory.at[pos].set(enc, mode='drop')
    new_mem_data = mem_data.at[pos].set(x, mode='drop')
    # adapt_stats: recompute mean/std over mem_data when any update occurred
    n_upd = jnp.sum(mask)
    m = jnp.mean(new_mem_data, axis=0)
    s = jnp.std(new_mem_data, axis=0, ddof=1)
    s = jnp.where(s < eps, jnp.ones_like(s), s)
    new_mean = jnp.where(n_upd > 0, m, mean)
    new_std = jnp.where(n_upd > 0, s, std)
    return scores, new_memory, new_mem_data, new_mean, new_std

if __name__ == "__main__":
    import jax
    _d = setup_inputs()
    print(jax.jit(kernel)(*tuple(_d.values())))

</pallas_src>

<mosaic_0001>
#map = affine_map<(d0, d1) -> (0, 0)>
module attributes {stable_mosaic.version = 14 : i64} {
  func.func @_sc_scatter_kernel(%arg0: i32, %arg1: i32, %arg2: memref<512x256xf32, #tpu.memory_space<hbm>>, %arg3: memref<512x128xf32, #tpu.memory_space<hbm>>, %arg4: memref<1024x256xf32, #tpu.memory_space<hbm>>, %arg5: memref<1024x128xf32, #tpu.memory_space<hbm>>, %arg6: memref<32x16xi32, #tpu.memory_space<hbm>>, %arg7: memref<1056x256xf32, #tpu.memory_space<hbm>>, %arg8: memref<1056x128xf32, #tpu.memory_space<hbm>>, %arg9: memref<16xi32, #tpu.memory_space<vmem>>, %arg10: memref<16x256xf32, #tpu.memory_space<vmem>>, %arg11: memref<16x128xf32, #tpu.memory_space<vmem>>, %arg12: memref<32x256xf32, #tpu.memory_space<vmem>>, %arg13: memref<32x128xf32, #tpu.memory_space<vmem>>, %arg14: memref<!tpu.dma_semaphore, #tpu.memory_space<semaphore_mem>>, %arg15: memref<!tpu.dma_semaphore, #tpu.memory_space<semaphore_mem>>, %arg16: memref<!tpu.dma_semaphore, #tpu.memory_space<semaphore_mem>>) attributes {dimension_semantics = [#tpu.dimension_semantics<core_parallel>, #tpu.dimension_semantics<subcore_parallel>], iteration_bounds = array<i64: 2, 16>, scalar_prefetch = 0 : i64, scratch_operands = 8 : i64, tpu.core_type = #tpu.core_type<sc_vector_subcore>, window_params = [{transform_indices = #map}, {transform_indices = #map}, {transform_indices = #map}, {transform_indices = #map}, {transform_indices = #map}, {transform_indices = #map}, {transform_indices = #map}]} {
    %mul3A = arith.constant 2 : i32
    %mul3A_0 = arith.muli %arg1, %mul3A : i32
    %add3A = arith.addi %mul3A_0, %arg0 : i32
    %mul3A_1 = arith.constant 32 : i32
    %mul3A_2 = arith.muli %add3A, %mul3A_1 : i32
    %mul3A_3 = arith.constant 16 : i32
    %mul3A_4 = arith.muli %add3A, %mul3A_3 : i32
    %dma_start3A = arith.constant 0 : i32
    %dma_start3A_5 = tpu.memref_slice %arg6[%add3A, %dma_start3A] : memref<32x16xi32, #tpu.memory_space<hbm>> -> memref<1x16xi32, #tpu.memory_space<hbm>>
    %dma_start3A_6 = tpu.memref_squeeze %dma_start3A_5 : memref<1x16xi32, #tpu.memory_space<hbm>> -> memref<16xi32, #tpu.memory_space<hbm>>
    %dma_start3A_7 = arith.constant 0 : i32
    %dma_start3A_8 = tpu.memref_slice %arg6[%add3A, %dma_start3A_7] : memref<32x16xi32, #tpu.memory_space<hbm>> -> memref<1x16xi32, #tpu.memory_space<hbm>>
    %dma_start3A_9 = tpu.memref_squeeze %dma_start3A_8 : memref<1x16xi32, #tpu.memory_space<hbm>> -> memref<16xi32, #tpu.memory_space<hbm>>
    tpu.enqueue_dma source(%dma_start3A_9 : memref<16xi32, #tpu.memory_space<hbm>>) target(%arg9 : memref<16xi32, #tpu.memory_space<vmem>>) target_semaphore(%arg14 : memref<!tpu.dma_semaphore, #tpu.memory_space<semaphore_mem>>)
    %dma_start3A_10 = arith.constant 0 : i32
    %dma_start3A_11 = tpu.memref_slice %arg2[%mul3A_4, %dma_start3A_10] : memref<512x256xf32, #tpu.memory_space<hbm>> -> memref<16x256xf32, #tpu.memory_space<hbm>>
    %dma_start3A_12 = arith.constant 0 : i32
    %dma_start3A_13 = tpu.memref_slice %arg2[%mul3A_4, %dma_start3A_12] : memref<512x256xf32, #tpu.memory_space<hbm>> -> memref<16x256xf32, #tpu.memory_space<hbm>>
    tpu.enqueue_dma source(%dma_start3A_13 : memref<16x256xf32, #tpu.memory_space<hbm>>) target(%arg10 : memref<16x256xf32, #tpu.memory_space<vmem>>) target_semaphore(%arg14 : memref<!tpu.dma_semaphore, #tpu.memory_space<semaphore_mem>>)
    %dma_start3A_14 = arith.constant 0 : i32
    %dma_start3A_15 = tpu.memref_slice %arg3[%mul3A_4, %dma_start3A_14] : memref<512x128xf32, #tpu.memory_space<hbm>> -> memref<16x128xf32, #tpu.memory_space<hbm>>
    %dma_start3A_16 = arith.constant 0 : i32
    %dma_start3A_17 = tpu.memref_slice %arg3[%mul3A_4, %dma_start3A_16] : memref<512x128xf32, #tpu.memory_space<hbm>> -> memref<16x128xf32, #tpu.memory_space<hbm>>
    tpu.enqueue_dma source(%dma_start3A_17 : memref<16x128xf32, #tpu.memory_space<hbm>>) target(%arg11 : memref<16x128xf32, #tpu.memory_space<vmem>>) target_semaphore(%arg14 : memref<!tpu.dma_semaphore, #tpu.memory_space<semaphore_mem>>)
    %dma_start3A_18 = arith.constant 0 : i32
    %dma_start3A_19 = tpu.memref_slice %arg4[%mul3A_2, %dma_start3A_18] : memref<1024x256xf32, #tpu.memory_space<hbm>> -> memref<32x256xf32, #tpu.memory_space<hbm>>
    %dma_start3A_20 = arith.constant 0 : i32
    %dma_start3A_21 = tpu.memref_slice %arg4[%mul3A_2, %dma_start3A_20] : memref<1024x256xf32, #tpu.memory_space<hbm>> -> memref<32x256xf32, #tpu.memory_space<hbm>>
    tpu.enqueue_dma source(%dma_start3A_21 : memref<32x256xf32, #tpu.memory_space<hbm>>) target(%arg12 : memref<32x256xf32, #tpu.memory_space<vmem>>) target_semaphore(%arg15 : memref<!tpu.dma_semaphore, #tpu.memory_space<semaphore_mem>>)
    %dma_start3A_22 = arith.constant 0 : i32
    %dma_start3A_23 = tpu.memref_slice %arg5[%mul3A_2, %dma_start3A_22] : memref<1024x128xf32, #tpu.memory_space<hbm>> -> memref<32x128xf32, #tpu.memory_space<hbm>>
    %dma_start3A_24 = arith.constant 0 : i32
    %dma_start3A_25 = tpu.memref_slice %arg5[%mul3A_2, %dma_start3A_24] : memref<1024x128xf32, #tpu.memory_space<hbm>> -> memref<32x128xf32, #tpu.memory_space<hbm>>
    tpu.enqueue_dma source(%dma_start3A_25 : memref<32x128xf32, #tpu.memory_space<hbm>>) target(%arg13 : memref<32x128xf32, #tpu.memory_space<vmem>>) target_semaphore(%arg15 : memref<!tpu.dma_semaphore, #tpu.memory_space<semaphore_mem>>)
    %dma_wait3A = arith.constant 0 : i32
    %dma_wait3A_26 = tpu.memref_slice %arg4[%mul3A_2, %dma_wait3A] : memref<1024x256xf32, #tpu.memory_space<hbm>> -> memref<32x256xf32, #tpu.memory_space<hbm>>
    %dma_wait3A_27 = arith.constant 0 : i32
    %dma_wait3A_28 = tpu.memref_slice %arg4[%mul3A_2, %dma_wait3A_27] : memref<1024x256xf32, #tpu.memory_space<hbm>> -> memref<32x256xf32, #tpu.memory_space<hbm>>
    tpu.wait_dma2 semaphore(%arg15 : memref<!tpu.dma_semaphore, #tpu.memory_space<semaphore_mem>>) src(%dma_wait3A_28 : memref<32x256xf32, #tpu.memory_space<hbm>>) dst(%arg12 : memref<32x256xf32, #tpu.memory_space<vmem>>)
    %dma_wait3A_29 = arith.constant 0 : i32
    %dma_wait3A_30 = tpu.memref_slice %arg5[%mul3A_2, %dma_wait3A_29] : memref<1024x128xf32, #tpu.memory_space<hbm>> -> memref<32x128xf32, #tpu.memory_space<hbm>>
    %dma_wait3A_31 = arith.constant 0 : i32
    %dma_wait3A_32 = tpu.memref_slice %arg5[%mul3A_2, %dma_wait3A_31] : memref<1024x128xf32, #tpu.memory_space<hbm>> -> memref<32x128xf32, #tpu.memory_space<hbm>>
    tpu.wait_dma2 semaphore(%arg15 : memref<!tpu.dma_semaphore, #tpu.memory_space<semaphore_mem>>) src(%dma_wait3A_32 : memref<32x128xf32, #tpu.memory_space<hbm>>) dst(%arg13 : memref<32x128xf32, #tpu.memory_space<vmem>>)
    %dma_start3A_33 = arith.constant 0 : i32
    %dma_start3A_34 = tpu.memref_slice %arg7[%mul3A_2, %dma_start3A_33] : memref<1056x256xf32, #tpu.memory_space<hbm>> -> memref<32x256xf32, #tpu.memory_space<hbm>>
    %dma_start3A_35 = arith.constant 0 : i32
    %dma_start3A_36 = tpu.memref_slice %arg7[%mul3A_2, %dma_start3A_35] : memref<1056x256xf32, #tpu.memory_space<hbm>> -> memref<32x256xf32, #tpu.memory_space<hbm>>
    tpu.enqueue_dma source(%arg12 : memref<32x256xf32, #tpu.memory_space<vmem>>) target(%dma_start3A_36 : memref<32x256xf32, #tpu.memory_space<hbm>>) target_semaphore(%arg15 : memref<!tpu.dma_semaphore, #tpu.memory_space<semaphore_mem>>)
    %dma_start3A_37 = arith.constant 0 : i32
    %dma_start3A_38 = tpu.memref_slice %arg8[%mul3A_2, %dma_start3A_37] : memref<1056x128xf32, #tpu.memory_space<hbm>> -> memref<32x128xf32, #tpu.memory_space<hbm>>
    %dma_start3A_39 = arith.constant 0 : i32
    %dma_start3A_40 = tpu.memref_slice %arg8[%mul3A_2, %dma_start3A_39] : memref<1056x128xf32, #tpu.memory_space<hbm>> -> memref<32x128xf32, #tpu.memory_space<hbm>>
    tpu.enqueue_dma source(%arg13 : memref<32x128xf32, #tpu.memory_space<vmem>>) target(%dma_start3A_40 : memref<32x128xf32, #tpu.memory_space<hbm>>) target_semaphore(%arg15 : memref<!tpu.dma_semaphore, #tpu.memory_space<semaphore_mem>>)
    %dma_wait3A_41 = arith.constant 0 : i32
    %dma_wait3A_42 = tpu.memref_slice %arg7[%mul3A_2, %dma_wait3A_41] : memref<1056x256xf32, #tpu.memory_space<hbm>> -> memref<32x256xf32, #tpu.memory_space<hbm>>
    %dma_wait3A_43 = arith.constant 0 : i32
    %dma_wait3A_44 = tpu.memref_slice %arg7[%mul3A_2, %dma_wait3A_43] : memref<1056x256xf32, #tpu.memory_space<hbm>> -> memref<32x256xf32, #tpu.memory_space<hbm>>
    tpu.wait_dma2 semaphore(%arg15 : memref<!tpu.dma_semaphore, #tpu.memory_space<semaphore_mem>>) src(%arg12 : memref<32x256xf32, #tpu.memory_space<vmem>>) dst(%dma_wait3A_44 : memref<32x256xf32, #tpu.memory_space<hbm>>)
    %dma_wait3A_45 = arith.constant 0 : i32
    %dma_wait3A_46 = tpu.memref_slice %arg8[%mul3A_2, %dma_wait3A_45] : memref<1056x128xf32, #tpu.memory_space<hbm>> -> memref<32x128xf32, #tpu.memory_space<hbm>>
    %dma_wait3A_47 = arith.constant 0 : i32
    %dma_wait3A_48 = tpu.memref_slice %arg8[%mul3A_2, %dma_wait3A_47] : memref<1056x128xf32, #tpu.memory_space<hbm>> -> memref<32x128xf32, #tpu.memory_space<hbm>>
    tpu.wait_dma2 semaphore(%arg15 : memref<!tpu.dma_semaphore, #tpu.memory_space<semaphore_mem>>) src(%arg13 : memref<32x128xf32, #tpu.memory_space<vmem>>) dst(%dma_wait3A_48 : memref<32x128xf32, #tpu.memory_space<hbm>>)
    %barrier3A = arith.constant 0 : index
    tpu.barrier barrier_id(%barrier3A)
    %dma_wait3A_49 = arith.constant 0 : i32
    %dma_wait3A_50 = tpu.memref_slice %arg6[%add3A, %dma_wait3A_49] : memref<32x16xi32, #tpu.memory_space<hbm>> -> memref<1x16xi32, #tpu.memory_space<hbm>>
    %dma_wait3A_51 = tpu.memref_squeeze %dma_wait3A_50 : memref<1x16xi32, #tpu.memory_space<hbm>> -> memref<16xi32, #tpu.memory_space<hbm>>
    %dma_wait3A_52 = arith.constant 0 : i32
    %dma_wait3A_53 = tpu.memref_slice %arg6[%add3A, %dma_wait3A_52] : memref<32x16xi32, #tpu.memory_space<hbm>> -> memref<1x16xi32, #tpu.memory_space<hbm>>
    %dma_wait3A_54 = tpu.memref_squeeze %dma_wait3A_53 : memref<1x16xi32, #tpu.memory_space<hbm>> -> memref<16xi32, #tpu.memory_space<hbm>>
    tpu.wait_dma2 semaphore(%arg14 : memref<!tpu.dma_semaphore, #tpu.memory_space<semaphore_mem>>) src(%dma_wait3A_54 : memref<16xi32, #tpu.memory_space<hbm>>) dst(%arg9 : memref<16xi32, #tpu.memory_space<vmem>>)
    %dma_wait3A_55 = arith.constant 0 : i32
    %dma_wait3A_56 = tpu.memref_slice %arg2[%mul3A_4, %dma_wait3A_55] : memref<512x256xf32, #tpu.memory_space<hbm>> -> memref<16x256xf32, #tpu.memory_space<hbm>>
    %dma_wait3A_57 = arith.constant 0 : i32
    %dma_wait3A_58 = tpu.memref_slice %arg2[%mul3A_4, %dma_wait3A_57] : memref<512x256xf32, #tpu.memory_space<hbm>> -> memref<16x256xf32, #tpu.memory_space<hbm>>
    tpu.wait_dma2 semaphore(%arg14 : memref<!tpu.dma_semaphore, #tpu.memory_space<semaphore_mem>>) src(%dma_wait3A_58 : memref<16x256xf32, #tpu.memory_space<hbm>>) dst(%arg10 : memref<16x256xf32, #tpu.memory_space<vmem>>)
    %dma_wait3A_59 = arith.constant 0 : i32
    %dma_wait3A_60 = tpu.memref_slice %arg3[%mul3A_4, %dma_wait3A_59] : memref<512x128xf32, #tpu.memory_space<hbm>> -> memref<16x128xf32, #tpu.memory_space<hbm>>
    %dma_wait3A_61 = arith.constant 0 : i32
    %dma_wait3A_62 = tpu.memref_slice %arg3[%mul3A_4, %dma_wait3A_61] : memref<512x128xf32, #tpu.memory_space<hbm>> -> memref<16x128xf32, #tpu.memory_space<hbm>>
    tpu.wait_dma2 semaphore(%arg14 : memref<!tpu.dma_semaphore, #tpu.memory_space<semaphore_mem>>) src(%dma_wait3A_62 : memref<16x128xf32, #tpu.memory_space<hbm>>) dst(%arg11 : memref<16x128xf32, #tpu.memory_space<vmem>>)
    %dma_start3A_63 = arith.constant 0 : i32
    %dma_start3A_64 = arith.constant 0 : i32
    %dma_start3A_65 = tpu.memref_slice %arg7[%dma_start3A_63, %dma_start3A_64] : memref<1056x256xf32, #tpu.memory_space<hbm>> -> memref<1056x256xf32, #tpu.memory_space<hbm>>
    tpu.enqueue_indirect_dma source(%arg10 : memref<16x256xf32, #tpu.memory_space<vmem>>) target(%dma_start3A_65 : memref<1056x256xf32, #tpu.memory_space<hbm>>) offsets(%arg9 : memref<16xi32, #tpu.memory_space<vmem>>) semaphore(%arg16 : memref<!tpu.dma_semaphore, #tpu.memory_space<semaphore_mem>>)
    %dma_start3A_66 = arith.constant 0 : i32
    %dma_start3A_67 = arith.constant 0 : i32
    %dma_start3A_68 = tpu.memref_slice %arg8[%dma_start3A_66, %dma_start3A_67] : memref<1056x128xf32, #tpu.memory_space<hbm>> -> memref<1056x128xf32, #tpu.memory_space<hbm>>
    tpu.enqueue_indirect_dma source(%arg11 : memref<16x128xf32, #tpu.memory_space<vmem>>) target(%dma_start3A_68 : memref<1056x128xf32, #tpu.memory_space<hbm>>) offsets(%arg9 : memref<16xi32, #tpu.memory_space<vmem>>) semaphore(%arg16 : memref<!tpu.dma_semaphore, #tpu.memory_space<semaphore_mem>>)
    %dma_wait3A_69 = arith.constant 0 : i32
    %dma_wait3A_70 = arith.constant 0 : i32
    %dma_wait3A_71 = tpu.memref_slice %arg7[%dma_wait3A_69, %dma_wait3A_70] : memref<1056x256xf32, #tpu.memory_space<hbm>> -> memref<1056x256xf32, #tpu.memory_space<hbm>>
    tpu.wait_indirect_dma semaphore(%arg16 : memref<!tpu.dma_semaphore, #tpu.memory_space<semaphore_mem>>) src(%arg10 : memref<16x256xf32, #tpu.memory_space<vmem>>) dst(%dma_wait3A_71 : memref<1056x256xf32, #tpu.memory_space<hbm>>)
    %dma_wait3A_72 = arith.constant 0 : i32
    %dma_wait3A_73 = arith.constant 0 : i32
    %dma_wait3A_74 = tpu.memref_slice %arg8[%dma_wait3A_72, %dma_wait3A_73] : memref<1056x128xf32, #tpu.memory_space<hbm>> -> memref<1056x128xf32, #tpu.memory_space<hbm>>
    tpu.wait_indirect_dma semaphore(%arg16 : memref<!tpu.dma_semaphore, #tpu.memory_space<semaphore_mem>>) src(%arg11 : memref<16x128xf32, #tpu.memory_space<vmem>>) dst(%dma_wait3A_74 : memref<1056x128xf32, #tpu.memory_space<hbm>>)
    return
  }
}

module attributes {stable_mosaic.version = 14 : i64} {
  func.func @_dense_kernel(%arg0: memref<512x128xf32, #tpu.memory_space<vmem>>, %arg1: memref<1024x256xf32, #tpu.memory_space<vmem>>, %arg2: memref<1024x128xf32, #tpu.memory_space<vmem>>, %arg3: memref<256x128xf32, #tpu.memory_space<vmem>>, %arg4: memref<1x256xf32, #tpu.memory_space<vmem>>, %arg5: memref<1x128xf32, #tpu.memory_space<vmem>>, %arg6: memref<1x128xf32, #tpu.memory_space<vmem>>, %arg7: memref<1x512xf32, #tpu.memory_space<vmem>>, %arg8: memref<512x256xf32, #tpu.memory_space<vmem>>, %arg9: memref<1x512xi32, #tpu.memory_space<vmem>>, %arg10: memref<1x128xf32, #tpu.memory_space<vmem>>, %arg11: memref<1x128xf32, #tpu.memory_space<vmem>>, %arg12: memref<1024x512xf32, #tpu.memory_space<vmem>>) attributes {dimension_semantics = [], scalar_prefetch = 0 : i64, scratch_operands = 1 : i64, tpu.core_type = #tpu.core_type<tc>} {
    %get3A = arith.constant 0 : index
    %get3A_0 = arith.constant 0 : index
    %get3A_1 = vector.load %arg5[%get3A, %get3A_0] : memref<1x128xf32, #tpu.memory_space<vmem>>, vector<1x128xf32>
    %get3A_2 = arith.constant 0 : index
    %get3A_3 = arith.constant 0 : index
    %get3A_4 = vector.load %arg6[%get3A_2, %get3A_3] : memref<1x128xf32, #tpu.memory_space<vmem>>, vector<1x128xf32>
    %lt3A = arith.constant 9.99999993E-9 : f32
    %lt3A_5 = vector.broadcast %lt3A : f32 to vector<1x128xf32>
    %lt3A_6 = arith.cmpf olt, %get3A_4, %lt3A_5 : vector<1x128xf32>
    %jit3A = arith.constant 1.000000e+00 : f32
    %broadcast_in_dim3A = vector.broadcast %jit3A : f32 to vector<1x128xf32>
    %select_n3A = arith.select %lt3A_6, %broadcast_in_dim3A, %get3A_4 : vector<1x128xi1>, vector<1x128xf32>
    %get3A_7 = arith.constant 0 : index
    %get3A_8 = arith.constant 0 : index
    %get3A_9 = vector.load %arg0[%get3A_7, %get3A_8] : memref<512x128xf32, #tpu.memory_space<vmem>>, vector<512x128xf32>
    %sub3A = vector.broadcast %get3A_1 : vector<1x128xf32> to vector<512x128xf32>
    %sub3A_10 = arith.subf %get3A_9, %sub3A : vector<512x128xf32>
    %div3A = vector.broadcast %select_n3A : vector<1x128xf32> to vector<512x128xf32>
    %div3A_11 = arith.divf %sub3A_10, %div3A : vector<512x128xf32>
    %jit3A_12 = arith.constant 0.000000e+00 : f32
    %broadcast_in_dim3A_13 = vector.shape_cast %lt3A_6 : vector<1x128xi1> to vector<1x128xi1>
    %broadcast_in_dim3A_14 = vector.broadcast %broadcast_in_dim3A_13 : vector<1x128xi1> to vector<512x128xi1>
    %broadcast_in_dim3A_15 = vector.broadcast %jit3A_12 : f32 to vector<512x128xf32>
    %select_n3A_16 = arith.select %broadcast_in_dim3A_14, %broadcast_in_dim3A_15, %div3A_11 : vector<512x128xi1>, vector<512x128xf32>
    %get3A_17 = arith.constant 0 : index
    %get3A_18 = arith.constant 0 : index
    %get3A_19 = vector.load %arg3[%get3A_17, %get3A_18] : memref<256x128xf32, #tpu.memory_space<vmem>>, vector<256x128xf32>
    %dot_general3A = arith.constant dense<0.000000e+00> : vector<512x256xf32>
    %dot_general3A_20 = tpu.matmul %select_n3A_16, %get3A_19, %dot_general3A {dimension_numbers = #tpu.dot_dimension_numbers<[1], [1], [0], [0], [0, 0, 1, 0], [], []>, precision = #tpu.contract_precision<fp32>, transpose_lhs_hint = false} : vector<512x128xf32>, vector<256x128xf32>, vector<512x256xf32> -> vector<512x256xf32>
    %get3A_21 = arith.constant 0 : index
    %get3A_22 = arith.constant 0 : index
    %get3A_23 = vector.load %arg4[%get3A_21, %get3A_22] : memref<1x256xf32, #tpu.memory_space<vmem>>, vector<1x256xf32>
    %add3A = vector.broadcast %get3A_23 : vector<1x256xf32> to vector<512x256xf32>
    %add3A_24 = arith.addf %dot_general3A_20, %add3A : vector<512x256xf32>
    %max3A = arith.constant 0.000000e+00 : f32
    %max3A_25 = vector.broadcast %max3A : f32 to vector<512x256xf32>
    %max3A_26 = arith.maximumf %add3A_24, %max3A_25 : vector<512x256xf32>
    %swap3A = arith.constant 0 : index
    %swap3A_27 = arith.constant 0 : index
    %swap3A_28 = vector.load %arg8[%swap3A, %swap3A_27] : memref<512x256xf32, #tpu.memory_space<vmem>>, vector<512x256xf32>
    tpu.vector_store %arg8[%swap3A, %swap3A_27], %max3A_26 {strides = array<i32>} : memref<512x256xf32, #tpu.memory_space<vmem>>, vector<512x256xf32>,
    %broadcast_in_dim3A_29 = arith.constant 1.000000e+00 : f32
    %broadcast_in_dim3A_30 = vector.broadcast %broadcast_in_dim3A_29 : f32 to vector<1x256xf32>
    %dot_general3A_31 = arith.constant dense<0.000000e+00> : vector<1x512xf32>
    %dot_general3A_32 = tpu.matmul %broadcast_in_dim3A_30, %max3A_26, %dot_general3A_31 {dimension_numbers = #tpu.dot_dimension_numbers<[1], [1], [0], [0], [0, 0, 1, 0], [], []>, precision = #tpu.contract_precision<fp32>, transpose_lhs_hint = false} : vector<1x256xf32>, vector<512x256xf32>, vector<1x512xf32> -> vector<1x512xf32>
    %get3A_33 = arith.constant 0 : index
    %get3A_34 = arith.constant 0 : index
    %get3A_35 = vector.load %arg1[%get3A_33, %get3A_34] : memref<1024x256xf32, #tpu.memory_space<vmem>>, vector<1024x256xf32>
    %dot_general3A_36 = arith.constant dense<0.000000e+00> : vector<1024x1xf32>
    %dot_general3A_37 = tpu.matmul %get3A_35, %broadcast_in_dim3A_30, %dot_general3A_36 {dimension_numbers = #tpu.dot_dimension_numbers<[1], [1], [0], [0], [0, 0, 1, 0], [], []>, precision = #tpu.contract_precision<fp32>, transpose_lhs_hint = false} : vector<1024x256xf32>, vector<1x256xf32>, vector<1024x1xf32> -> vector<1024x1xf32>
    %scan3A = arith.constant 0 : i32
    %scan3A_38 = arith.constant 8 : i32
    %scan3A_39 = arith.addi %scan3A, %scan3A_38 : i32
    %scan3A_40 = arith.constant 1 : i32
    scf.for %scan3A_239 = %scan3A to %scan3A_39 step %scan3A_40  : i32 {
      %mul3A_240 = arith.constant 128 : i32
      %mul3A_241 = arith.muli %scan3A_239, %mul3A_240 : i32
      %get3A_242 = arith.index_cast %mul3A_241 : i32 to index
      %get3A_243 = arith.constant 0 : index
      %get3A_244 = vector.load %arg1[%get3A_242, %get3A_243] : memref<1024x256xf32, #tpu.memory_space<vmem>>, vector<128x256xf32>
      %broadcast_in_dim3A_245 = vector.shape_cast %max3A_26 : vector<512x256xf32> to vector<1x512x256xf32>
      %broadcast_in_dim3A_246 = vector.shape_cast %get3A_244 : vector<128x256xf32> to vector<128x1x256xf32>
      %min3A = vector.broadcast %broadcast_in_dim3A_245 : vector<1x512x256xf32> to vector<128x512x256xf32>
      %min3A_247 = vector.broadcast %broadcast_in_dim3A_246 : vector<128x1x256xf32> to vector<128x512x256xf32>
      %min3A_248 = arith.minimumf %min3A, %min3A_247 : vector<128x512x256xf32>
      %reduce_sum3A_249 = arith.constant dense<0.000000e+00> : vector<128x512xf32>
      %reduce_sum3A_250 = vector.multi_reduction <add>, %min3A_248, %reduce_sum3A_249 [2] : vector<128x512x256xf32> to vector<128x512xf32>
      %mul3A_251 = arith.constant 128 : i32
      %mul3A_252 = arith.muli %scan3A_239, %mul3A_251 : i32
      %swap3A_253 = arith.index_cast %mul3A_252 : i32 to index
      %swap3A_254 = arith.constant 0 : index
      %swap3A_255 = vector.load %arg12[%swap3A_253, %swap3A_254] : memref<1024x512xf32, #tpu.memory_space<vmem>>, vector<128x512xf32>
      tpu.vector_store %arg12[%swap3A_253, %swap3A_254], %reduce_sum3A_250 {strides = array<i32>} : memref<1024x512xf32, #tpu.memory_space<vmem>>, vector<128x512xf32>,
    }
    %scan3A_41 = arith.constant 8 : i32
    %get3A_42 = arith.constant 0 : index
    %get3A_43 = arith.constant 0 : index
    %get3A_44 = vector.load %arg12[%get3A_42, %get3A_43] : memref<1024x512xf32, #tpu.memory_space<vmem>>, vector<1024x512xf32>
    %mul3A = arith.constant 2.000000e+00 : f32
    %mul3A_45 = vector.broadcast %mul3A : f32 to vector<1024x512xf32>
    %mul3A_46 = arith.mulf %mul3A_45, %get3A_44 : vector<1024x512xf32>
    %sub3A_47 = vector.broadcast %dot_general3A_37 : vector<1024x1xf32> to vector<1024x512xf32>
    %sub3A_48 = arith.subf %sub3A_47, %mul3A_46 : vector<1024x512xf32>
    %swap3A_49 = arith.constant 0 : index
    %swap3A_50 = arith.constant 0 : index
    %swap3A_51 = vector.load %arg12[%swap3A_49, %swap3A_50] : memref<1024x512xf32, #tpu.memory_space<vmem>>, vector<1024x512xf32>
    tpu.vector_store %arg12[%swap3A_49, %swap3A_50], %sub3A_48 {strides = array<i32>} : memref<1024x512xf32, #tpu.memory_space<vmem>>, vector<1024x512xf32>,
    %iota3A = tpu.iota {dimensions = array<i32: 0>} : vector<1024x512xi32>
    %get3A_52 = arith.constant 0 : index
    %get3A_53 = arith.constant 0 : index
    %get3A_54 = vector.load %arg12[%get3A_52, %get3A_53] : memref<1024x512xf32, #tpu.memory_space<vmem>>, vector<1024x512xf32>
    %reduce_min3A = arith.constant dense<0x7F800000> : vector<512xf32>
    %reduce_min3A_55 = vector.multi_reduction <minimumf>, %get3A_54, %reduce_min3A [0] : vector<1024x512xf32> to vector<512xf32>
    %broadcast_in_dim3A_56 = vector.shape_cast %reduce_min3A_55 : vector<512xf32> to vector<1x512xf32>
    %get3A_57 = arith.constant 0 : index
    %get3A_58 = arith.constant 0 : index
    %get3A_59 = vector.load %arg12[%get3A_57, %get3A_58] : memref<1024x512xf32, #tpu.memory_space<vmem>>, vector<1024x512xf32>
    %eq3A = vector.broadcast %broadcast_in_dim3A_56 : vector<1x512xf32> to vector<1024x512xf32>
    %eq3A_60 = arith.cmpf oeq, %get3A_59, %eq3A : vector<1024x512xf32>
    %jit3A_61 = arith.constant 1024 : i32
    %broadcast_in_dim3A_62 = vector.broadcast %jit3A_61 : i32 to vector<1024x512xi32>
    %select_n3A_63 = arith.select %eq3A_60, %iota3A, %broadcast_in_dim3A_62 : vector<1024x512xi1>, vector<1024x512xi32>
    %reduce_min3A_64 = arith.constant dense<2147483647> : vector<512xi32>
    %reduce_min3A_65 = vector.multi_reduction <minsi>, %select_n3A_63, %reduce_min3A_64 [0] : vector<1024x512xi32> to vector<512xi32>
    %broadcast_in_dim3A_66 = vector.shape_cast %reduce_min3A_65 : vector<512xi32> to vector<1x512xi32>
    %eq3A_67 = vector.broadcast %broadcast_in_dim3A_66 : vector<1x512xi32> to vector<1024x512xi32>
    %eq3A_68 = arith.cmpi eq, %iota3A, %eq3A_67 : vector<1024x512xi32>
    %get3A_69 = arith.constant 0 : index
    %get3A_70 = arith.constant 0 : index
    %get3A_71 = vector.load %arg12[%get3A_69, %get3A_70] : memref<1024x512xf32, #tpu.memory_space<vmem>>, vector<1024x512xf32>
    %jit3A_72 = arith.constant 0x7F800000 : f32
    %broadcast_in_dim3A_73 = vector.broadcast %jit3A_72 : f32 to vector<1024x512xf32>
    %select_n3A_74 = arith.select %eq3A_68, %broadcast_in_dim3A_73, %get3A_71 : vector<1024x512xi1>, vector<1024x512xf32>
    %swap3A_75 = arith.constant 0 : index
    %swap3A_76 = arith.constant 0 : index
    %swap3A_77 = vector.load %arg12[%swap3A_75, %swap3A_76] : memref<1024x512xf32, #tpu.memory_space<vmem>>, vector<1024x512xf32>
    tpu.vector_store %arg12[%swap3A_75, %swap3A_76], %select_n3A_74 {strides = array<i32>} : memref<1024x512xf32, #tpu.memory_space<vmem>>, vector<1024x512xf32>,
    %get3A_78 = arith.constant 0 : index
    %get3A_79 = arith.constant 0 : index
    %get3A_80 = vector.load %arg12[%get3A_78, %get3A_79] : memref<1024x512xf32, #tpu.memory_space<vmem>>, vector<1024x512xf32>
    %reduce_min3A_81 = arith.constant dense<0x7F800000> : vector<512xf32>
    %reduce_min3A_82 = vector.multi_reduction <minimumf>, %get3A_80, %reduce_min3A_81 [0] : vector<1024x512xf32> to vector<512xf32>
    %broadcast_in_dim3A_83 = vector.shape_cast %reduce_min3A_82 : vector<512xf32> to vector<1x512xf32>
    %get3A_84 = arith.constant 0 : index
    %get3A_85 = arith.constant 0 : index
    %get3A_86 = vector.load %arg12[%get3A_84, %get3A_85] : memref<1024x512xf32, #tpu.memory_space<vmem>>, vector<1024x512xf32>
    %eq3A_87 = vector.broadcast %broadcast_in_dim3A_83 : vector<1x512xf32> to vector<1024x512xf32>
    %eq3A_88 = arith.cmpf oeq, %get3A_86, %eq3A_87 : vector<1024x512xf32>
    %jit3A_89 = arith.constant 1024 : i32
    %broadcast_in_dim3A_90 = vector.broadcast %jit3A_89 : i32 to vector<1024x512xi32>
    %select_n3A_91 = arith.select %eq3A_88, %iota3A, %broadcast_in_dim3A_90 : vector<1024x512xi1>, vector<1024x512xi32>
    %reduce_min3A_92 = arith.constant dense<2147483647> : vector<512xi32>
    %reduce_min3A_93 = vector.multi_reduction <minsi>, %select_n3A_91, %reduce_min3A_92 [0] : vector<1024x512xi32> to vector<512xi32>
    %broadcast_in_dim3A_94 = vector.shape_cast %reduce_min3A_93 : vector<512xi32> to vector<1x512xi32>
    %eq3A_95 = vector.broadcast %broadcast_in_dim3A_94 : vector<1x512xi32> to vector<1024x512xi32>
    %eq3A_96 = arith.cmpi eq, %iota3A, %eq3A_95 : vector<1024x512xi32>
    %get3A_97 = arith.constant 0 : index
    %get3A_98 = arith.constant 0 : index
    %get3A_99 = vector.load %arg12[%get3A_97, %get3A_98] : memref<1024x512xf32, #tpu.memory_space<vmem>>, vector<1024x512xf32>
    %jit3A_100 = arith.constant 0x7F800000 : f32
    %broadcast_in_dim3A_101 = vector.broadcast %jit3A_100 : f32 to vector<1024x512xf32>
    %select_n3A_102 = arith.select %eq3A_96, %broadcast_in_dim3A_101, %get3A_99 : vector<1024x512xi1>, vector<1024x512xf32>
    %swap3A_103 = arith.constant 0 : index
    %swap3A_104 = arith.constant 0 : index
    %swap3A_105 = vector.load %arg12[%swap3A_103, %swap3A_104] : memref<1024x512xf32, #tpu.memory_space<vmem>>, vector<1024x512xf32>
    tpu.vector_store %arg12[%swap3A_103, %swap3A_104], %select_n3A_102 {strides = array<i32>} : memref<1024x512xf32, #tpu.memory_space<vmem>>, vector<1024x512xf32>,
    %get3A_106 = arith.constant 0 : index
    %get3A_107 = arith.constant 0 : index
    %get3A_108 = vector.load %arg12[%get3A_106, %get3A_107] : memref<1024x512xf32, #tpu.memory_space<vmem>>, vector<1024x512xf32>
    %reduce_min3A_109 = arith.constant dense<0x7F800000> : vector<512xf32>
    %reduce_min3A_110 = vector.multi_reduction <minimumf>, %get3A_108, %reduce_min3A_109 [0] : vector<1024x512xf32> to vector<512xf32>
    %broadcast_in_dim3A_111 = vector.shape_cast %reduce_min3A_110 : vector<512xf32> to vector<1x512xf32>
    %add3A_112 = arith.addf %broadcast_in_dim3A_56, %broadcast_in_dim3A_83 : vector<1x512xf32>
    %add3A_113 = arith.addf %add3A_112, %broadcast_in_dim3A_111 : vector<1x512xf32>
    %div3A_114 = arith.constant 3.000000e+00 : f32
    %div3A_115 = vector.broadcast %div3A_114 : f32 to vector<1x512xf32>
    %div3A_116 = arith.divf %add3A_113, %div3A_115 : vector<1x512xf32>
    %add3A_117 = arith.addf %div3A_116, %dot_general3A_32 : vector<1x512xf32>
    %swap3A_118 = arith.constant 0 : index
    %swap3A_119 = arith.constant 0 : index
    %swap3A_120 = vector.load %arg7[%swap3A_118, %swap3A_119] : memref<1x512xf32, #tpu.memory_space<vmem>>, vector<1x512xf32>
    tpu.vector_store %arg7[%swap3A_118, %swap3A_119], %add3A_117 {strides = array<i32>} : memref<1x512xf32, #tpu.memory_space<vmem>>, vector<1x512xf32>,
    %le3A = arith.constant 2.000000e+02 : f32
    %le3A_121 = vector.broadcast %le3A : f32 to vector<1x512xf32>
    %le3A_122 = arith.cmpf ole, %add3A_117, %le3A_121 : vector<1x512xf32>
    %convert_element_type3A = arith.extui %le3A_122 : vector<1x512xi1> to vector<1x512xi32>
    %convert_element_type3A_123 = arith.sitofp %convert_element_type3A : vector<1x512xi32> to vector<1x512xf32>
    %iota3A_124 = tpu.iota {dimensions = array<i32: 0>} : vector<512x512xi32>
    %iota3A_125 = tpu.iota {dimensions = array<i32: 1>} : vector<512x512xi32>
    %le3A_126 = arith.cmpi sle, %iota3A_124, %iota3A_125 : vector<512x512xi32>
    %convert_element_type3A_127 = arith.extui %le3A_126 : vector<512x512xi1> to vector<512x512xi32>
    %convert_element_type3A_128 = arith.sitofp %convert_element_type3A_127 : vector<512x512xi32> to vector<512x512xf32>
    %dot_general3A_129 = arith.constant dense<0.000000e+00> : vector<1x512xf32>
    %dot_general3A_130 = tpu.matmul %convert_element_type3A_123, %convert_element_type3A_128, %dot_general3A_129 {dimension_numbers = #tpu.dot_dimension_numbers<[1], [0], [0], [1], [0, 0, 1, 1], [], []>, transpose_lhs_hint = false} : vector<1x512xf32>, vector<512x512xf32>, vector<1x512xf32> -> vector<1x512xf32>
    %slice3A = vector.extract_strided_slice %dot_general3A_130 {offsets = [0, 511], sizes = [1, 1], strides = [1, 1]} : vector<1x512xf32> to vector<1x1xf32>
    %convert_element_type3A_131 = arith.fptosi %slice3A : vector<1x1xf32> to vector<1x1xi32>
    %iota3A_132 = tpu.iota {dimensions = array<i32: 1>} : vector<1x512xi32>
    %jit3A_133 = arith.constant 16 : i32
    %div3A_134 = vector.broadcast %jit3A_133 : i32 to vector<1x512xi32>
    %div3A_135 = arith.divsi %iota3A_132, %div3A_134 : vector<1x512xi32>
    %sign3A = arith.constant 0 : i32
    %sign3A_136 = vector.broadcast %sign3A : i32 to vector<1x512xi32>
    %sign3A_137 = arith.cmpi sgt, %iota3A_132, %sign3A_136 : vector<1x512xi32>
    %sign3A_138 = arith.extui %sign3A_137 : vector<1x512xi1> to vector<1x512xi32>
    %sign3A_139 = arith.constant 0 : i32
    %sign3A_140 = vector.broadcast %sign3A_139 : i32 to vector<1x512xi32>
    %sign3A_141 = arith.cmpi slt, %iota3A_132, %sign3A_140 : vector<1x512xi32>
    %sign3A_142 = arith.extui %sign3A_141 : vector<1x512xi1> to vector<1x512xi32>
    %sign3A_143 = arith.subi %sign3A_138, %sign3A_142 : vector<1x512xi32>
    %sign3A_144 = arith.constant 0 : i32
    %sign3A_145 = arith.cmpi sgt, %jit3A_133, %sign3A_144 : i32
    %sign3A_146 = arith.extui %sign3A_145 : i1 to i32
    %sign3A_147 = arith.constant 0 : i32
    %sign3A_148 = arith.cmpi slt, %jit3A_133, %sign3A_147 : i32
    %sign3A_149 = arith.extui %sign3A_148 : i1 to i32
    %sign3A_150 = arith.subi %sign3A_146, %sign3A_149 : i32
    %ne3A = vector.broadcast %sign3A_150 : i32 to vector<1x512xi32>
    %ne3A_151 = arith.cmpi ne, %sign3A_143, %ne3A : vector<1x512xi32>
    %rem3A = vector.broadcast %jit3A_133 : i32 to vector<1x512xi32>
    %rem3A_152 = arith.remsi %iota3A_132, %rem3A : vector<1x512xi32>
    %ne3A_153 = arith.constant 0 : i32
    %ne3A_154 = vector.broadcast %ne3A_153 : i32 to vector<1x512xi32>
    %ne3A_155 = arith.cmpi ne, %rem3A_152, %ne3A_154 : vector<1x512xi32>
    %and3A = arith.andi %ne3A_151, %ne3A_155 : vector<1x512xi1>
    %sub3A_156 = arith.constant 1 : i32
    %sub3A_157 = vector.broadcast %sub3A_156 : i32 to vector<1x512xi32>
    %sub3A_158 = arith.subi %div3A_135, %sub3A_157 : vector<1x512xi32>
    %select_n3A_159 = arith.select %and3A, %sub3A_158, %div3A_135 : vector<1x512xi1>, vector<1x512xi32>
    %add3A_160 = arith.constant 1024 : i32
    %add3A_161 = vector.broadcast %add3A_160 : i32 to vector<1x512xi32>
    %add3A_162 = arith.addi %add3A_161, %select_n3A_159 : vector<1x512xi32>
    %gt3A = arith.constant 0.000000e+00 : f32
    %gt3A_163 = vector.broadcast %gt3A : f32 to vector<1x512xf32>
    %gt3A_164 = arith.cmpf ogt, %convert_element_type3A_123, %gt3A_163 : vector<1x512xf32>
    %convert_element_type3A_165 = arith.fptosi %dot_general3A_130 : vector<1x512xf32> to vector<1x512xi32>
    %sub3A_166 = arith.constant 1 : i32
    %sub3A_167 = vector.broadcast %sub3A_166 : i32 to vector<1x512xi32>
    %sub3A_168 = arith.subi %convert_element_type3A_165, %sub3A_167 : vector<1x512xi32>
    %select_n3A_169 = arith.select %gt3A_164, %sub3A_168, %add3A_162 : vector<1x512xi1>, vector<1x512xi32>
    %swap3A_170 = arith.constant 0 : index
    %swap3A_171 = arith.constant 0 : index
    %swap3A_172 = vector.load %arg9[%swap3A_170, %swap3A_171] : memref<1x512xi32, #tpu.memory_space<vmem>>, vector<1x512xi32>
    tpu.vector_store %arg9[%swap3A_170, %swap3A_171], %select_n3A_169 {strides = array<i32>} : memref<1x512xi32, #tpu.memory_space<vmem>>, vector<1x512xi32>,
    %get3A_173 = arith.constant 0 : index
    %get3A_174 = arith.constant 0 : index
    %get3A_175 = vector.load %arg2[%get3A_173, %get3A_174] : memref<1024x128xf32, #tpu.memory_space<vmem>>, vector<1024x128xf32>
    %iota3A_176 = tpu.iota {dimensions = array<i32: 0>} : vector<1024x1xi32>
    %lt3A_177 = vector.broadcast %convert_element_type3A_131 : vector<1x1xi32> to vector<1024x1xi32>
    %lt3A_178 = arith.cmpi slt, %iota3A_176, %lt3A_177 : vector<1024x1xi32>
    %convert_element_type3A_179 = arith.extui %lt3A_178 : vector<1024x1xi1> to vector<1024x1xi32>
    %convert_element_type3A_180 = arith.sitofp %convert_element_type3A_179 : vector<1024x1xi32> to vector<1024x1xf32>
    %reduce_sum3A = arith.constant dense<0.000000e+00> : vector<128xf32>
    %reduce_sum3A_181 = vector.multi_reduction <add>, %get3A_175, %reduce_sum3A [0] : vector<1024x128xf32> to vector<128xf32>
    %broadcast_in_dim3A_182 = vector.shape_cast %reduce_sum3A_181 : vector<128xf32> to vector<1x128xf32>
    %mul3A_183 = arith.mulf %get3A_175, %get3A_175 : vector<1024x128xf32>
    %reduce_sum3A_184 = arith.constant dense<0.000000e+00> : vector<128xf32>
    %reduce_sum3A_185 = vector.multi_reduction <add>, %mul3A_183, %reduce_sum3A_184 [0] : vector<1024x128xf32> to vector<128xf32>
    %broadcast_in_dim3A_186 = vector.shape_cast %reduce_sum3A_185 : vector<128xf32> to vector<1x128xf32>
    %dot_general3A_187 = arith.constant dense<0.000000e+00> : vector<1x128xf32>
    %dot_general3A_188 = tpu.matmul %convert_element_type3A_180, %get3A_175, %dot_general3A_187 {dimension_numbers = #tpu.dot_dimension_numbers<[0], [0], [1], [1], [0, 1, 1, 1], [], []>, precision = #tpu.contract_precision<fp32>, transpose_lhs_hint = false} : vector<1024x1xf32>, vector<1024x128xf32>, vector<1x128xf32> -> vector<1x128xf32>
    %mul3A_189 = arith.mulf %get3A_175, %get3A_175 : vector<1024x128xf32>
    %dot_general3A_190 = arith.constant dense<0.000000e+00> : vector<1x128xf32>
    %dot_general3A_191 = tpu.matmul %convert_element_type3A_180, %mul3A_189, %dot_general3A_190 {dimension_numbers = #tpu.dot_dimension_numbers<[0], [0], [1], [1], [0, 1, 1, 1], [], []>, precision = #tpu.contract_precision<fp32>, transpose_lhs_hint = false} : vector<1024x1xf32>, vector<1024x128xf32>, vector<1x128xf32> -> vector<1x128xf32>
    %get3A_192 = arith.constant 0 : index
    %get3A_193 = arith.constant 0 : index
    %get3A_194 = vector.load %arg0[%get3A_192, %get3A_193] : memref<512x128xf32, #tpu.memory_space<vmem>>, vector<512x128xf32>
    %dot_general3A_195 = arith.constant dense<0.000000e+00> : vector<1x128xf32>
    %dot_general3A_196 = tpu.matmul %convert_element_type3A_123, %get3A_194, %dot_general3A_195 {dimension_numbers = #tpu.dot_dimension_numbers<[1], [0], [0], [1], [0, 0, 1, 1], [], []>, precision = #tpu.contract_precision<fp32>, transpose_lhs_hint = false} : vector<1x512xf32>, vector<512x128xf32>, vector<1x128xf32> -> vector<1x128xf32>
    %mul3A_197 = arith.mulf %get3A_194, %get3A_194 : vector<512x128xf32>
    %dot_general3A_198 = arith.constant dense<0.000000e+00> : vector<1x128xf32>
    %dot_general3A_199 = tpu.matmul %convert_element_type3A_123, %mul3A_197, %dot_general3A_198 {dimension_numbers = #tpu.dot_dimension_numbers<[1], [0], [0], [1], [0, 0, 1, 1], [], []>, precision = #tpu.contract_precision<fp32>, transpose_lhs_hint = false} : vector<1x512xf32>, vector<512x128xf32>, vector<1x128xf32> -> vector<1x128xf32>
    %sub3A_200 = arith.subf %broadcast_in_dim3A_182, %dot_general3A_188 : vector<1x128xf32>
    %add3A_201 = arith.addf %sub3A_200, %dot_general3A_196 : vector<1x128xf32>
    %sub3A_202 = arith.subf %broadcast_in_dim3A_186, %dot_general3A_191 : vector<1x128xf32>
    %add3A_203 = arith.addf %sub3A_202, %dot_general3A_199 : vector<1x128xf32>
    %div3A_204 = arith.constant 1.024000e+03 : f32
    %div3A_205 = vector.broadcast %div3A_204 : f32 to vector<1x128xf32>
    %div3A_206 = arith.divf %add3A_201, %div3A_205 : vector<1x128xf32>
    %mul3A_207 = arith.constant 1.024000e+03 : f32
    %mul3A_208 = vector.broadcast %mul3A_207 : f32 to vector<1x128xf32>
    %mul3A_209 = arith.mulf %mul3A_208, %div3A_206 : vector<1x128xf32>
    %mul3A_210 = arith.mulf %mul3A_209, %div3A_206 : vector<1x128xf32>
    %sub3A_211 = arith.subf %add3A_203, %mul3A_210 : vector<1x128xf32>
    %div3A_212 = arith.constant 1.023000e+03 : f32
    %div3A_213 = vector.broadcast %div3A_212 : f32 to vector<1x128xf32>
    %div3A_214 = arith.divf %sub3A_211, %div3A_213 : vector<1x128xf32>
    %max3A_215 = arith.constant 0.000000e+00 : f32
    %max3A_216 = vector.broadcast %max3A_215 : f32 to vector<1x128xf32>
    %max3A_217 = arith.maximumf %div3A_214, %max3A_216 : vector<1x128xf32>
    %sqrt3A = math.sqrt %max3A_217 : vector<1x128xf32>
    %lt3A_218 = arith.constant 9.99999993E-9 : f32
    %lt3A_219 = vector.broadcast %lt3A_218 : f32 to vector<1x128xf32>
    %lt3A_220 = arith.cmpf olt, %sqrt3A, %lt3A_219 : vector<1x128xf32>
    %jit3A_221 = arith.constant 1.000000e+00 : f32
    %broadcast_in_dim3A_222 = vector.broadcast %jit3A_221 : f32 to vector<1x128xf32>
    %select_n3A_223 = arith.select %lt3A_220, %broadcast_in_dim3A_222, %sqrt3A : vector<1x128xi1>, vector<1x128xf32>
    %gt3A_224 = arith.constant 0 : i32
    %gt3A_225 = vector.broadcast %gt3A_224 : i32 to vector<1x1xi32>
    %gt3A_226 = arith.cmpi sgt, %convert_element_type3A_131, %gt3A_225 : vector<1x1xi32>
    %broadcast_in_dim3A_227 = vector.shape_cast %gt3A_226 : vector<1x1xi1> to vector<1x1xi1>
    %broadcast_in_dim3A_228 = vector.broadcast %broadcast_in_dim3A_227 : vector<1x1xi1> to vector<1x128xi1>
    %select_n3A_229 = arith.select %broadcast_in_dim3A_228, %div3A_206, %get3A_1 : vector<1x128xi1>, vector<1x128xf32>
    %swap3A_230 = arith.constant 0 : index
    %swap3A_231 = arith.constant 0 : index
    %swap3A_232 = vector.load %arg10[%swap3A_230, %swap3A_231] : memref<1x128xf32, #tpu.memory_space<vmem>>, vector<1x128xf32>
    tpu.vector_store %arg10[%swap3A_230, %swap3A_231], %select_n3A_229 {strides = array<i32>} : memref<1x128xf32, #tpu.memory_space<vmem>>, vector<1x128xf32>,
    %broadcast_in_dim3A_233 = vector.shape_cast %gt3A_226 : vector<1x1xi1> to vector<1x1xi1>
    %broadcast_in_dim3A_234 = vector.broadcast %broadcast_in_dim3A_233 : vector<1x1xi1> to vector<1x128xi1>
    %select_n3A_235 = arith.select %broadcast_in_dim3A_234, %select_n3A_223, %get3A_4 : vector<1x128xi1>, vector<1x128xf32>
    %swap3A_236 = arith.constant 0 : index
    %swap3A_237 = arith.constant 0 : index
    %swap3A_238 = vector.load %arg11[%swap3A_236, %swap3A_237] : memref<1x128xf32, #tpu.memory_space<vmem>>, vector<1x128xf32>
    tpu.vector_store %arg11[%swap3A_236, %swap3A_237], %select_n3A_235 {strides = array<i32>} : memref<1x128xf32, #tpu.memory_space<vmem>>, vector<1x128xf32>,
    return
  }
}

</mosaic_0001>

<sc_bundles>
// kernel: kernel.4.cloned.1.call-start
scs
__scs_entry_jumppad:
0x0: {  	(pc) =	sbr.rel $0x88, $3  }
0x1: {  	(tag) =	ssettag $0x0;
	lr =	simm.s32 $0x1  }
0x2: {  	[smem:$0x3F9A] =	sst lr;
	_ =	strace $0xD0000000  }
0x3: {  	_ = 	snop  }
0x4: {  	_ = 	snop  }
0x5: {  	_ = 	snop  }
0x6: {  	_ = 	snop  }
0x7: {  	_ = 	snop  }
__scs_overlays_trampoline_lowered:
0x8: {  	[smem:$0x3FA9] =	sst s0  }
0x9: {  	[smem:$0x3FAA] =	sst s1  }
0xa: {  	[smem:$0x3FAB] =	sst s2  }
0xb: {  	[smem:$0x3FAC] =	sst s3  }
0xc: {  	[smem:$0x3FAD] =	sst s4  }
0xd: {  	[smem:$0x3FAE] =	sst s5  }
0xe: {  	[smem:$0x3FAF] =	sst s6  }
0xf: {  	[smem:$0x3FB0] =	sst s7  }
0x10: {  	[smem:$0x3FB1] =	sst s8  }
0x11: {  	[smem:$0x3FB2] =	sst s9;
	s0 =	simm.s32 @!p0 $0x0  }
0x12: {  	s1 =	sld [smem:$0x3F98];
	s0 =	simm.s32 @p0 $0x1  }
0x13: {  	[smem:$0x3FB3] =	sst s0;
	s0 =	simm.s32 @!p1 $0x0  }
0x14: {  	s2 =	sld [smem:$0x3F97];
	s0 =	simm.s32 @p1 $0x1  }
0x15: {  	[smem:$0x3FB4] =	sst s0;
	s0 =	simm.s32 @!p2 $0x0  }
0x16: {  	s3 =	sld [smem:$0x3FDB];
	s0 =	simm.s32 @p2 $0x1  }
0x17: {  	s4 =	simm.s32 $0x1BF5;
	[smem:$0x3FB6] =	sst s0  }
0x18: {  	s0 =	sld [smem:$0x3F99];
	_ =	swait.ge [sflag:s4], $0x0  }
0x19: {  	s7 =	sld [smem:$0x3F9A]  }
0x1a: {  	s8 =	sadd.s32 $0xFFFFE003, lr  }
0x1b: {  	s9 =	sadd.s32 $0xFFFFFEF7, lr;
	s5 =	simm.s32 $0xFFFFFFFF;
	p2 =	slt.u32 s8, $0xFFFFF086  }
0x1c: {  	p1 =	slt.u32 s9, $0xF7A;
	s5 =	simm.s32 @!p2 $0x0  }
0x1d: {  	s5 =	simm.s32 @p1 $0x1;
	p0 =	seq.s32 s7, s2  }
0x1e: {  	s7 =	smul.u32 @!p0 $0xF7A, s2;
	p2 =	seq.s32 @!p0 s5, $0x0  }
0x1f: {  	s9 =	smul.u32 $0xF7A, s1;
	s8 =	simm.s32 @!p0 $0x1BF5;
	p2 =	por !p2, p0  }
0x20: {  	[sflag:s8] =	ssyncset.s32 @!p0 $0xFFFFF086;
	s6 =	sadd.s32 @!p0 s3, s7;
	s7 =	simm.s32 @!p0 $0x108  }
0x21: {  	s3 =	sadd.s32 s3, s9;
	s6 =	sadd.s32 @!p0 $0x88, s6;
	s7 =	simm.s32 @p2 $0x1082  }
0x22: {  	[simem:s7], [sflag:s8] =	dma.local @!p0 [hbm:s6], $0xF7A  }
0x23: {  	s9 =	sor.u32 $0xD0000000, s2;
	s6 =	simm.s32 $0x108;
	_ =	swait.ge @!p0 [sflag:s8], $0x0  }
0x24: {  	s3 =	sadd.s32 $0x88, s3;
	s6 =	simm.s32 @!p1 $0x1082;
	[sflag:s4] =	ssyncset.s32 $0xFFFFF086  }
0x25: {  	[simem:s6], [sflag:s4] =	dma.local [hbm:s3], $0xF7A  }
0x26: {  	[smem:$0x3F9A] =	sst s1;
	(tag) =	ssettag s2;
	_ =	strace s9  }
0x27: {  	s1 =	sld [smem:$0x3FAA]  }
0x28: {  	s2 =	sld [smem:$0x3FAB]  }
0x29: {  	s4 =	sld [smem:$0x3FAD]  }
0x2a: {  	p0 =	seq.s32 s5, $0x0;
	s5 =	sld [smem:$0x3FAE]  }
0x2b: {  	s6 =	sld [smem:$0x3FAF]  }
0x2c: {  	s7 =	sld [smem:$0x3FB0]  }
0x2d: {  	s3 =	simm.s32 $0x108;
	s8 =	sld [smem:$0x3FB1]  }
0x2e: {  	s3 =	simm.s32 @!p0 $0x1082;
	s9 =	sld [smem:$0x3FB2]  }
0x2f: {  	lr =	sadd.s32 s0, s3;
	s0 =	sld [smem:$0x3FA9]  }
0x30: {  	s3 =	sld [smem:$0x3FAC]  }
0x31: {  	[smem:$0x3FB5] =	sst s10  }
0x32: {  	s10 =	sld [smem:$0x3FB3];
	_ =	sdelay $0x3  }
0x33: {  	p0 =	seq.s32 s10, $0x1;
	s10 =	sld [smem:$0x3FB5];
	_ =	sdelay $0x3  }
0x34: {  	[smem:$0x3FB5] =	sst s10  }
0x35: {  	s10 =	sld [smem:$0x3FB4];
	_ =	sdelay $0x3  }
0x36: {  	p1 =	seq.s32 s10, $0x1;
	s10 =	sld [smem:$0x3FB5];
	_ =	sdelay $0x3  }
0x37: {  	[smem:$0x3FB5] =	sst s10  }
0x38: {  	s10 =	sld [smem:$0x3FB6]  }
0x39: {  	_ = 	snop;
	(pc) =	sbr.ind lr, $3  }
0x3a: {  	_ = 	snop  }
0x3b: {  	_ = 	snop  }
0x3c: {  	p2 =	seq.s32 s10, $0x1;
	s10 =	sld [smem:$0x3FB5]  }
0x3d: {  	_ =	shalt  }
0x3e: {  	_ =	shalt  }
0x3f: {  	_ =	shalt  }
0x40: {  	_ =	shalt  }
0x41: {  	_ =	shalt  }
0x42: {  	_ =	shalt  }
0x43: {  	_ =	shalt  }
0x44: {  	_ =	shalt  }
0x45: {  	_ =	shalt  }
0x46: {  	_ =	shalt  }
0x47: {  	_ =	shalt  }
0x48: {  	_ =	shalt  }
0x49: {  	_ =	shalt  }
0x4a: {  	_ =	shalt  }
0x4b: {  	_ =	shalt  }
0x4c: {  	_ =	shalt  }
0x4d: {  	_ =	shalt  }
0x4e: {  	_ =	shalt  }
0x4f: {  	_ =	shalt  }
0x50: {  	_ =	shalt  }
0x51: {  	_ =	shalt  }
0x52: {  	_ =	shalt  }
0x53: {  	_ =	shalt  }
0x54: {  	_ =	shalt  }
0x55: {  	_ =	shalt  }
0x56: {  	_ =	shalt  }
0x57: {  	_ =	shalt  }
0x58: {  	_ =	shalt  }
0x59: {  	_ =	shalt  }
0x5a: {  	_ =	shalt  }
0x5b: {  	_ =	shalt  }
0x5c: {  	_ =	shalt  }
0x5d: {  	_ =	shalt  }
0x5e: {  	_ =	shalt  }
0x5f: {  	_ =	shalt  }
0x60: {  	_ =	shalt  }
0x61: {  	_ =	shalt  }
0x62: {  	_ =	shalt  }
0x63: {  	_ =	shalt  }
0x64: {  	_ =	shalt  }
0x65: {  	_ =	shalt  }
0x66: {  	_ =	shalt  }
0x67: {  	_ =	shalt  }
0x68: {  	_ =	shalt  }
0x69: {  	_ =	shalt  }
0x6a: {  	_ =	shalt  }
0x6b: {  	_ =	shalt  }
0x6c: {  	_ =	shalt  }
0x6d: {  	_ =	shalt  }
0x6e: {  	_ =	shalt  }
0x6f: {  	_ =	shalt  }
0x70: {  	_ =	shalt  }
0x71: {  	_ =	shalt  }
0x72: {  	_ =	shalt  }
0x73: {  	_ =	shalt  }
0x74: {  	_ =	shalt  }
0x75: {  	_ =	shalt  }
0x76: {  	_ =	shalt  }
0x77: {  	_ =	shalt  }
0x78: {  	_ =	shalt  }
0x79: {  	_ =	shalt  }
0x7a: {  	_ =	shalt  }
0x7b: {  	_ =	shalt  }
0x7c: {  	_ =	shalt  }
0x7d: {  	_ =	shalt  }
0x7e: {  	_ =	shalt  }
0x7f: {  	_ =	shalt  }
0x80: {  	_ =	shalt  }
0x81: {  	_ =	shalt  }
0x82: {  	_ =	shalt  }
0x83: {  	_ =	shalt  }
0x84: {  	_ =	shalt  }
0x85: {  	_ =	shalt  }
0x86: {  	_ =	shalt  }
0x87: {  	_ =	shalt  }
.Lfunc_end0:
.L_simem_size_0:
called_computation_lowered:
.L_overlay_start_0:
0x88: {  	s2 =	sld [smem:$0x3FD9]  }
0x89: {  	s3 =	sld [smem:$0x3FFE];
	_ =	sdelay $0x1  }
0x8a: {  	s1 =	srdreg.scid  }
0x8b: {  	s0 =	sand.u32 $0x1, s1  }
0x8c: {  	s14 =	sshll.u32 s0, $0xA;
	s2 =	sadd.s32 s3, s2  }
0x8d: {  	s2 =	sadd.s32 s2, s14  }
0x8e: {  	[smem:$0x3FC1] =	sst s2  }
0x8f: {  	_ = 	snop  }
0x90: {  	s2 =	sld [smem:$0x3FD0]  }
0x91: {  	s15 =	sld [smem:$0x3FC9]  }
0x92: {  	s4 =	sld [smem:$0x3FC8]  }
0x93: {  	s6 =	simm.s32 $0xA;
	s7 =	simm.s32 $0x10;
	s5 =	sld [smem:$0x3FC7]  }
0x94: {  	[smem:s7], [sflag:s6] =	dma.local [hbm:s2], $0x1  }
0x95: {  	_ =	swait.eq [sflag:s6], $0x1  }
0x96: {  	[sflag:s6] =	ssyncset.done $0x0  }
0x97: {  	s16 =	sld [smem:$0x11];
	[sflag:s6] =	ssyncadd.s32 $0xFFFFFFFF  }
0x98: {  	s17 =	sld [smem:$0x12];
	(tm) =	ssettm $0x1  }
0x99: {  	s18 =	sld [smem:$0x3FFB];
	_ =	sdelay $0x3  }
0x9a: {  	_ =	strace s18  }
0x9b: {  	s7 =	sld [smem:$0x3FFC];
	_ =	sdelay $0x3  }
0x9c: {  	_ =	strace s7  }
0x9d: {  	s7 =	sld [smem:$0x3FFD];
	_ =	sdelay $0x3  }
0x9e: {  	_ =	strace s7  }
0x9f: {  	_ =	strace $0x8FFFFFFF  }
0xa0: {  	s19 =	sld [smem:$0x3FDB];
	_ =	sdelay $0x1  }
0xa1: {  	s8 =	simm.s32 $_scs_section_size  }
0xa2: {  	s9 =	simm.s32 $_size__tile_overlayer_lowered;
	s10 =	simm.s32 $_tile_overlayer_lowered  }
0xa3: {  	s22 =	simm.s32 $0x1BFF;
	s21 =	sshll.u32 s10, $0x1;
	s7 =	sadd.s32 s8, s19  }
0xa4: {  	s11 =	simm.s32 $0x0;
	s20 =	sshll.u32 s9, $0x1;
	s9 =	sadd.s32 s21, s7  }
0xa5: {  	[timem:s11], [sflag:s22] =	dma.local [hbm:s9], s20  }
0xa6: {  	_ =	swait.ge [sflag:s22], s20  }
0xa7: {  	s8 =	ssub.s32 $0x0, s20;
	[sflag:s22] =	ssyncset.done $0x0  }
0xa8: {  	[sflag:s22] =	ssyncadd.s32 s8;
	_ =	sdelay $0x1  }
0xa9: {  	s23 =	simm.s32 $0x1B8B  }
0xaa: {  	_ =	swait.ge [sflag:s23], $0x1  }
0xab: {  	[sflag:s23] =	ssyncset.done $0x0  }
0xac: {  	s25 =	simm.s32 $0x1B8E;
	s24 =	sld [smem:$0x3FFE];
	[sflag:s23] =	ssyncadd.s32 $0xFFFFFFFF  }
0xad: {  	s26 =	simm.s32 $execute0_lowered;
	[smem:$0x3FD2] =	sst s25  }
0xae: {  	s9 =	sshll.u32 s26, $0x1;
	_ =	strace $0x80000046;
	[dreg:$0x1] =	wrdreg $0xFFFFFFFF  }
0xaf: {  	s28 =	simm.s32 $_size_execute0_lowered;
	s7 =	sadd.s32 s7, s9;
	[dreg:$0x0] =	wrdreg $0x0  }
0xb0: {  	s9 =	sshll.u32 s28, $0x1;
	[dreg:$0x2] =	wrdreg s7  }
0xb1: {  	[dreg:$0x3] =	wrdreg s9  }
0xb2: {  	[dreg:$0x4] =	wrdreg $0xC0  }
0xb3: {  	_ =	task [dreg:s11], $0x5FFFF  }
0xb4: {  	[dreg:$0x1] =	wrdreg $0xFFFFFFFF  }
0xb5: {  	[dreg:$0x0] =	wrdreg $0x60  }
0xb6: {  	[dreg:$0x2] =	wrdreg s17  }
0xb7: {  	[dreg:$0x3] =	wrdreg s15  }
0xb8: {  	[dreg:$0x4] =	wrdreg s4  }
0xb9: {  	[dreg:$0x5] =	wrdreg s5  }
0xba: {  	[dreg:$0x6] =	wrdreg s16  }
0xbb: {  	[dreg:$0x7] =	wrdreg s24  }
0xbc: {  	[dreg:$0x8] =	wrdreg $0x9  }
0xbd: {  	_ =	task.clear_ibuf [dreg:s11], $0x9FFFF;
	_ =	strace $0x90000046  }
0xbe: {  	s29 =	simm.s32 $0x9;
	_ =	strace $0x80000048  }
0xbf: {  	_ =	swait.ge [sflag:s29], $0x1  }
0xc0: {  	[sflag:s29] =	ssyncadd.s32 $0xFFFFFFFF  }
0xc1: {  	_ =	strace $0x90000048  }
0xc2: {  	_ =	sfence  }
0xc3: {  	s30 =	sld [smem:$0x0];
	_ =	sdelay $0x2  }
0xc4: {  	s31 =	sshll.u32 s1, $0xD;
	s1 =	sshrl.u32 s1, $0x2  }
0xc5: {  	s3 =	sand.u32 $0x4000, s31;
	s1 =	sadd.s32 s1, s30  }
0xc6: {  	s0 =	sor.u32 s3, s0;
	s1 =	sshll.u32 s1, $0x11  }
0xc7: {  	s0 =	sor.u32 s1, s0  }
0xc8: {  	s0 =	sadd.s32 $0x8F2B, s0  }
0xc9: {  	[sflag:s0] =	ssyncadd.remote.s32 $0x1  }
0xca: {  	_ =	sfence.sel $0xFFFF  }
0xcb: {  	[dreg:$0x0] =	wrdreg $0xFFFFFFFF;
	(pc) =	sbr.abs _section_cstart, $3  }
0xcc: {  	[dreg:$0x1] =	wrdreg $0xFFFFFFFF  }
0xcd: {  	_ =	task.clear_ibuf [dreg:s11], $0x2FFFF;
	_ =	strace $0x9FFFFFFF  }
0xce: {  	(tm) =	ssettm $0x7FFFFFFF  }
0xcf: {  	_ =	shalt  }
tec
execute0_lowered:
.L_overlay_start_1:
0x0: {  	(tag) =	ssettag $0x1  }
0x1: {  	s4 =	rddreg [dreg:$0x0]  }
0x2: {  	s6 =	rddreg [dreg:$0x1]  }
0x3: {  	s8 =	rddreg [dreg:$0x2]  }
0x4: {  	s10 =	rddreg [dreg:$0x3]  }
0x5: {  	s3 =	rddreg [dreg:$0x4]  }
0x6: {  	s1 =	srdreg.scid;
	s0 =	stileid.u32  }
0x7: {  	s14 =	rddreg [dreg:$0x5];
	s19 =	sand.u32 $0x1, s1;
	s5 =	sshll.u32 s0, $0x1  }
0x8: {  	s2 =	simm.s32 $0x0;
	s1 =	rddreg [dreg:$0x6];
	s7 =	sor.u32 s19, s5  }
0x9: {  	[smem:$0x7FF] =	sst s2;
	s5 =	sshll.u32 s7, $0x4  }
0xa: {  	_ =	strace $0x80000047;
	s16 =	sshll.u32 s7, $0x9;
	s3 =	sadd.s32 s3, s5  }
0xb: {  	[tilespmem:s2], [sflag:$0x1] =	stream.linear.gather [hbm4b:s3+s2], $0x80, $0x38;
	[tilespmem:$0x4880] =	vst v63  }
0xc: {  	s9 =	sshll.u32 s7, $0x8;
	s4 =	sadd.s32 s4, s16;
	s5 =	simm.s32 $0x80  }
0xd: {  	[tilespmem:s5], [sflag:$0x1] =	stream.linear.gather [hbm4b:s4+s2], $0x1000, $0x38;
	[tilespmem:$0x4880] =	vst v63  }
0xe: {  	s15 =	sshll.u32 s7, $0xA;
	s7 =	simm.s32 $0x1080;
	s6 =	sadd.s32 s6, s9  }
0xf: {  	[tilespmem:s7], [sflag:$0x1] =	stream.linear.gather [hbm4b:s6+s2], $0x800, $0x38;
	[tilespmem:$0x4880] =	vst v63  }
0x10: {  	s8 =	sadd.s32 s8, s15;
	s9 =	simm.s32 $0x1880  }
0x11: {  	[tilespmem:s9], [sflag:$0x2] =	stream.linear.gather [hbm4b:s8+s2], $0x2000, $0x38;
	[tilespmem:$0x4880] =	vst v63  }
0x12: {  	s11 =	simm.s32 $0x3880;
	s12 =	simm.s32 $0x2;
	s10 =	sadd.s32 s10, s16  }
0x13: {  	[tilespmem:s11], [sflag:$0x2] =	stream.linear.gather [hbm4b:s10+s2], $0x1000, $0x38;
	[tilespmem:$0x4880] =	vst v63  }
0x14: {  	_ =	swait.ge [sflag:s12], $0x2000  }
0x15: {  	[sflag:s12] =	ssyncset.done $0x0  }
0x16: {  	[sflag:s12] =	ssyncadd.s32 $0xFFFFE000  }
0x17: {  	_ =	swait.ge [sflag:s12], $0x1000  }
0x18: {  	s13 =	sadd.s32 $0x1800, s14;
	[sflag:s12] =	ssyncset.done $0x0  }
0x19: {  	s14 =	sadd.s32 $0x9C00, s14;
	s15 =	sadd.s32 s13, s15;
	[sflag:s12] =	ssyncadd.s32 $0xFFFFF000  }
0x1a: {  	[hbm4b:s15+s2] =	stream.linear.scatter [tilespmem:s9], [sflag:$0x2], $0x2000, $0x38;
	[tilespmem:$0x4880] =	vst v63  }
0x1b: {  	s16 =	sadd.s32 s14, s16  }
0x1c: {  	[hbm4b:s16+s2] =	stream.linear.scatter [tilespmem:s11], [sflag:$0x2], $0x1000, $0x38;
	[tilespmem:$0x4880] =	vst v63  }
0x1d: {  	_ =	swait.ge [sflag:s12], $0x2000  }
0x1e: {  	[sflag:s12] =	ssyncset.done $0x0  }
0x1f: {  	[sflag:s12] =	ssyncadd.s32 $0xFFFFE000  }
0x20: {  	_ =	swait.ge [sflag:s12], $0x1000  }
0x21: {  	[sflag:s12] =	ssyncset.done $0x0  }
0x22: {  	[sflag:s12] =	ssyncadd.s32 $0xFFFFF000  }
0x23: {  	s17 =	simm.s32 $0x1;
	[bflag:$0x0] =	sbarrier.arrive $0xFFFF  }
0x24: {  	_ =	swait.ge [sflag:s17], $0x80  }
0x25: {  	[sflag:s17] =	ssyncset.done $0x0  }
0x26: {  	[sflag:s17] =	ssyncadd.s32 $0xFFFFFF80  }
0x27: {  	_ =	swait.ge [sflag:s17], $0x1000  }
0x28: {  	[sflag:s17] =	ssyncset.done $0x0  }
0x29: {  	[sflag:s17] =	ssyncadd.s32 $0xFFFFF000  }
0x2a: {  	_ =	swait.ge [sflag:s17], $0x800  }
0x2b: {  	[sflag:s17] =	ssyncset.done $0x0  }
0x2c: {  	[sflag:s17] =	ssyncadd.s32 $0xFFFFF800  }
0x2d: {  	v0 =	vld [tilespmem:$0x0];
	_ =	sdelay $0x4  }
0x2e: {  	v1 =	vshll.u32 v0, $0x1  }
0x2f: {  	v2 =	vlaneseq.u32;
	v3 =	vand.u32 $0x7, v0;
	v1 =	vand.u32 $0xFFFFFFF0, v1  }
0x30: {  	v4 =	vshrl.u32 v2, $0x3;
	v0 =	vand.u32 $0x7, v2;
	v3 =	vor.u32 v3, v1  }
0x31: {  	v1 =	vmul.u32 $0x8, v4;
	v63 =	vperm.xlane v3, v0  }
0x32: {  	v2 =	vor.u32 $0x8, v2  }
0x33: {  	v3 =	vperm.xlane v3, v2;
	v4 =	vadd.s32 v1, v63;
	_ =	sdelay $0x1  }
0x34: {  	s21 =	ssub.s32 $0x2, s19;
	v3 =	vadd.s32 v1, v3  }
0x35: {  	s22 =	sshrl.u32 s21, $0x1  }
0x36: {  	vm0 =	vmmov $0xffff;
	s21 =	ssub.s32 s21, s22  }
0x37: {  	[hbm4b:s13+s2] =	stream.indirect_vreg.scatter [tilespmem:s5], [sflag:$0x3], $0x80, v4, vm0, $0xb8;
	[tilespmem:$0x4880] =	vst v63  }
0x38: {  	s18 =	simm.s32 $0x880;
	s21 =	smax.u32 s21, $0x1  }
0x39: {  	[hbm4b:s13+s2] =	stream.indirect_vreg.scatter [tilespmem:s18], [sflag:$0x3], $0x80, v3, vm0, $0xb8;
	[tilespmem:$0x4880] =	vst v63  }
0x3a: {  	s20 =	simm.s32 $0x10;
	s19 =	simm.s32 $0x3;
	p0 =	sne.s32 s21, $0x1  }
0x3b: {  	[hbm4b:s14+s20] =	stream.indirect.scatter [tilespmem:s7], [sflag:$0x3], $0x80, s2, s20, $0xb8;
	[tilespmem:$0x4880] =	vst v63  }
.Ltmp0:
0x3c: {  	_ =	swait.ge [sflag:s19], $0x1000;
	(pc) =	sbr.rel @!p0 .LBB2_2-.Ltmp0, $4  }
0x3d: {  	[sflag:s19] =	ssyncset.done $0x0  }
0x3e: {  	[sflag:s19] =	ssyncadd.s32 $0xFFFFF000  }
0x3f: {  	_ =	swait.ge [sflag:s19], $0x800  }
0x40: {  	s21 =	sadd.s32 $0xFFFFFFFF, s21;
	[sflag:s19] =	ssyncset.done $0x0  }
.LBB2_1:
0x41: {  	p0 =	sne.s32 s21, $0x1;
	s21 =	sadd.s32 $0xFFFFFFFF, s21;
	[sflag:s19] =	ssyncadd.s32 $0xFFFFF800  }
0x42: {  	[tilespmem:s2], [sflag:$0x1] =	stream.linear.gather [hbm4b:s3+s2], $0x80, $0x38;
	[tilespmem:$0x4880] =	vst v63  }
0x43: {  	_ = 	snop  }
0x44: {  	[tilespmem:s5], [sflag:$0x1] =	stream.linear.gather [hbm4b:s4+s2], $0x1000, $0x38;
	[tilespmem:$0x4880] =	vst v63  }
0x45: {  	_ = 	snop  }
0x46: {  	[tilespmem:s7], [sflag:$0x1] =	stream.linear.gather [hbm4b:s6+s2], $0x800, $0x38;
	[tilespmem:$0x4880] =	vst v63  }
0x47: {  	_ = 	snop  }
0x48: {  	[tilespmem:s9], [sflag:$0x2] =	stream.linear.gather [hbm4b:s8+s2], $0x2000, $0x38;
	[tilespmem:$0x4880] =	vst v63  }
0x49: {  	_ = 	snop  }
0x4a: {  	[tilespmem:s11], [sflag:$0x2] =	stream.linear.gather [hbm4b:s10+s2], $0x1000, $0x38;
	[tilespmem:$0x4880] =	vst v63  }
0x4b: {  	_ =	swait.ge [sflag:s12], $0x2000  }
0x4c: {  	[sflag:s12] =	ssyncset.done $0x0  }
0x4d: {  	[sflag:s12] =	ssyncadd.s32 $0xFFFFE000  }
0x4e: {  	_ =	swait.ge [sflag:s12], $0x1000  }
0x4f: {  	[sflag:s12] =	ssyncset.done $0x0  }
0x50: {  	[sflag:s12] =	ssyncadd.s32 $0xFFFFF000  }
0x51: {  	[hbm4b:s15+s2] =	stream.linear.scatter [tilespmem:s9], [sflag:$0x2], $0x2000, $0x38;
	[tilespmem:$0x4880] =	vst v63  }
0x52: {  	_ = 	snop  }
0x53: {  	[hbm4b:s16+s2] =	stream.linear.scatter [tilespmem:s11], [sflag:$0x2], $0x1000, $0x38;
	[tilespmem:$0x4880] =	vst v63  }
0x54: {  	_ =	swait.ge [sflag:s12], $0x2000  }
0x55: {  	[sflag:s12] =	ssyncset.done $0x0  }
0x56: {  	[sflag:s12] =	ssyncadd.s32 $0xFFFFE000  }
0x57: {  	_ =	swait.ge [sflag:s12], $0x1000  }
0x58: {  	[sflag:s12] =	ssyncset.done $0x0  }
0x59: {  	[sflag:s12] =	ssyncadd.s32 $0xFFFFF000  }
0x5a: {  	[bflag:$0x0] =	sbarrier.arrive $0xFFFF  }
0x5b: {  	_ =	swait.ge [sflag:s17], $0x80  }
0x5c: {  	[sflag:s17] =	ssyncset.done $0x0  }
0x5d: {  	[sflag:s17] =	ssyncadd.s32 $0xFFFFFF80  }
0x5e: {  	_ =	swait.ge [sflag:s17], $0x1000  }
0x5f: {  	[sflag:s17] =	ssyncset.done $0x0  }
0x60: {  	[sflag:s17] =	ssyncadd.s32 $0xFFFFF000  }
0x61: {  	_ =	swait.ge [sflag:s17], $0x800  }
0x62: {  	[sflag:s17] =	ssyncset.done $0x0  }
0x63: {  	[sflag:s17] =	ssyncadd.s32 $0xFFFFF800  }
0x64: {  	v3 =	vld [tilespmem:$0x0];
	_ =	sdelay $0x4  }
0x65: {  	v4 =	vshll.u32 v3, $0x1  }
0x66: {  	v3 =	vand.u32 $0x7, v3;
	v4 =	vand.u32 $0xFFFFFFF0, v4  }
0x67: {  	v3 =	vor.u32 v3, v4  }
0x68: {  	v4 =	vperm.xlane v3, v0;
	v3 =	vperm.xlane v3, v2;
	_ =	sdelay $0x1  }
0x69: {  	v4 =	vadd.s32 v1, v4;
	_ =	sdelay $0x1  }
0x6a: {  	v3 =	vadd.s32 v1, v3;
	_ =	sdelay $0x2  }
0x6b: {  	[hbm4b:s13+s2] =	stream.indirect_vreg.scatter [tilespmem:s5], [sflag:$0x3], $0x80, v4, vm0, $0xb8;
	[tilespmem:$0x4880] =	vst v63  }
0x6c: {  	_ = 	snop  }
0x6d: {  	[hbm4b:s13+s2] =	stream.indirect_vreg.scatter [tilespmem:s18], [sflag:$0x3], $0x80, v3, vm0, $0xb8;
	[tilespmem:$0x4880] =	vst v63  }
0x6e: {  	_ = 	snop  }
0x6f: {  	[hbm4b:s14+s20] =	stream.indirect.scatter [tilespmem:s7], [sflag:$0x3], $0x80, s2, s20, $0xb8;
	[tilespmem:$0x4880] =	vst v63  }
.Ltmp1:
0x70: {  	_ =	swait.ge [sflag:s19], $0x1000;
	(pc) =	sbr.rel @p0 .LBB2_1-.Ltmp1, $4  }
0x71: {  	[sflag:s19] =	ssyncset.done $0x0  }
0x72: {  	[sflag:s19] =	ssyncadd.s32 $0xFFFFF000  }
0x73: {  	_ =	swait.ge [sflag:s19], $0x800  }
0x74: {  	[sflag:s19] =	ssyncset.done $0x0  }
.LBB2_2:
0x75: {  	[sflag:s19] =	ssyncadd.s32 $0xFFFFF800  }
0x76: {  	_ =	sfence.sel $0x180000  }
0x77: {  	[bflag:$0x0] =	sbarrier.arrive $0xFFFF  }
0x78: {  	p0 =	sne.s32 s0, $0x0;
	_ =	strace $0x90000047  }
0x79: {  	s0 =	sadd.s32 @!p0 $0x100000, s1;
	[bflag:$0x2] =	sbarrier.arrive $0xFFFF  }
0x7a: {  	[sflag:s0] =	ssyncadd.tile.s32 @!p0 $0x1;
	_ =	shalt  }
.Lfunc_end2:
_tile_overlayer_lowered:
.L_overlay_start_2:
0x7b: {  	(tag) =	ssettag $0x2  }
0x7c: {  	s0 =	rddreg [dreg:$0x0];
	s2 =	stileid.u32  }
0x7d: {  	s1 =	rddreg [dreg:$0x1];
	p0 =	sne.s32 s2, $0x0  }
0x7e: {  	s3 =	rddreg [dreg:$0x2];
	[bflag:$0x3] =	sbarrier.arrive $0xFFFF;
	s2 =	simm.s32 @!p0 $0x1C04  }
0x7f: {  	[timem:s3], [sflag:s2] =	dma.local @!p0 [hbm:s0], s1  }
0x80: {  	s0 =	simm.s32 @!p0 $0x4  }
0x81: {  	_ =	swait.ge @!p0 [sflag:s0], s1  }
0x82: {  	s1 =	ssub.s32 @!p0 $0x0, s1;
	[sflag:s0] =	ssyncset.done @!p0 $0x0  }
0x83: {  	[sflag:s0] =	ssyncadd.s32 @!p0 s1  }
0x84: {  	[bflag:$0x3] =	sbarrier.arrive $0xFFFF  }
0x85: {  	_ =	shalt  }

</sc_bundles>
